<compile_context>
chip_gen: v7x
topology: tpu7x:2x2x1
jax: 0.10.2.dev20260603
libtpu: 0.0.44.dev20260713+nightly
codegen_flags: <defaults>
</compile_context>

<pallas_src>
import functools

import jax
import jax.numpy as jnp
from jax import lax
from jax.experimental import pallas as pl
from jax.experimental.pallas import tpu as pltpu
from jax.experimental.pallas import tpu_sc as plsc

_CHUNK = 256
_IDX_W = 128
_PAIR = 2 * _CHUNK


def _embed_lookup(atom_types, table):
    batch = atom_types.shape[0]
    vocab, dim = table.shape

    info = plsc.get_sparse_core_info()
    nc, ns = info.num_cores, info.num_subcores
    nw = nc * ns
    b_per_w = batch // nw
    n_pairs = b_per_w // _PAIR
    n_sub = _CHUNK // _IDX_W

    mesh = plsc.VectorSubcoreMesh(core_axis_name="c", subcore_axis_name="s")

    @functools.partial(
        pl.kernel,
        mesh=mesh,
        out_type=jax.ShapeDtypeStruct((batch, dim), jnp.float32),
        scratch_types=[
            pltpu.VMEM((b_per_w,), jnp.int32),
            pltpu.VMEM((_CHUNK, dim), jnp.float32),
            pltpu.VMEM((_CHUNK, dim), jnp.float32),
            pltpu.VMEM_SHARED((vocab, dim), jnp.float32),
            pltpu.SemaphoreType.DMA,
            pltpu.SemaphoreType.DMA,
            pltpu.SemaphoreType.DMA,
        ],
    )
    def body(idx_hbm, table_hbm, out_hbm, idx_v, rows_a, rows_b, table_sh,
             gsem, osem_a, osem_b):
        cid = lax.axis_index("c")
        sid = lax.axis_index("s")
        wid = sid * nc + cid
        base = wid * b_per_w

        @pl.when(sid == 0)
        def _stage_table():
            pltpu.sync_copy(table_hbm, table_sh)

        pltpu.sync_copy(idx_hbm.at[pl.ds(base, b_per_w)], idx_v)
        plsc.subcore_barrier()

        def gather_chunk(rows_v, idx_off):
            copies = []
            for j in range(n_sub):
                copies.append(
                    pltpu.async_copy(
                        table_sh.at[idx_v.at[pl.ds(idx_off + j * _IDX_W, _IDX_W)]],
                        rows_v.at[pl.ds(j * _IDX_W, _IDX_W)],
                        gsem,
                    )
                )
            for c in copies:
                c.wait()

        def out_write(rows_v, off, osem):
            pltpu.async_copy(rows_v, out_hbm.at[pl.ds(off, _CHUNK)], osem)

        def out_drain(rows_v, off, osem):
            pltpu.make_async_copy(
                rows_v, out_hbm.at[pl.ds(off, _CHUNK)], osem).wait()

        gather_chunk(rows_a, 0)
        out_write(rows_a, base, osem_a)
        gather_chunk(rows_b, _CHUNK)
        out_write(rows_b, base + _CHUNK, osem_b)

        def pair_body(t, carry):
            off = base + t * _PAIR
            out_drain(rows_a, off - _PAIR, osem_a)
            gather_chunk(rows_a, t * _PAIR)
            out_write(rows_a, off, osem_a)
            out_drain(rows_b, off - _CHUNK, osem_b)
            gather_chunk(rows_b, t * _PAIR + _CHUNK)
            out_write(rows_b, off + _CHUNK, osem_b)
            return carry

        lax.fori_loop(1, n_pairs, pair_body, 0)

        last = base + (n_pairs - 1) * _PAIR
        out_drain(rows_a, last, osem_a)
        out_drain(rows_b, last + _CHUNK, osem_b)

    return body(atom_types, table)


def kernel(atom_types, table):
    return _embed_lookup(atom_types.astype(jnp.int32), table.astype(jnp.float32))

# --- scband reference (transcript-rebuilt; emitter-appended) ---
"""Pipeline reference for scband-atom-embedding-5909874999434 (READ-ONLY COPY).

The authoritative reference and input builder live on the scoring server;
editing this copy changes nothing except your own understanding.
"""

import jax, jax.numpy as jnp
import numpy as np

N_ATOMS = 1048576
TYPE_NUM = 100
DIM = 128


def setup_inputs(seed: int = 0) -> dict:
    key = jax.random.key(seed)
    k1, k2 = jax.random.split(key)
    atom_types = jax.random.randint(k1, (N_ATOMS,), 0, TYPE_NUM)
    table = jax.random.normal(k2, (TYPE_NUM, DIM), dtype=jnp.float32)
    # nn.Embedding(padding_idx=0): row 0 is zero-initialized
    table = table.at[0].set(0.0)
    return {"atom_types": atom_types, "table": table}


def reference(atom_types, table):
    # AtomEmbedding.forward: embedding lookup, rows indexed by atomic type
    return jnp.take(table, atom_types, axis=0)

if __name__ == "__main__":
    import jax
    _d = setup_inputs()
    print(jax.jit(kernel)(*tuple(_d.values())))

</pallas_src>

<mosaic_0001>
#map = affine_map<(d0, d1) -> (0)>
#map1 = affine_map<(d0, d1) -> (0, 0)>
module attributes {stable_mosaic.version = 14 : i64} {
  func.func @body(%arg0: i32, %arg1: i32, %arg2: memref<1048576xi32, #tpu.memory_space<hbm>>, %arg3: memref<100x128xf32, #tpu.memory_space<hbm>>, %arg4: memref<1048576x128xf32, #tpu.memory_space<hbm>>, %arg5: memref<32768xi32, #tpu.memory_space<vmem>>, %arg6: memref<256x128xf32, #tpu.memory_space<vmem>>, %arg7: memref<256x128xf32, #tpu.memory_space<vmem>>, %arg8: memref<100x128xf32, #tpu.memory_space<vmem_shared>>, %arg9: memref<!tpu.dma_semaphore, #tpu.memory_space<semaphore_mem>>, %arg10: memref<!tpu.dma_semaphore, #tpu.memory_space<semaphore_mem>>, %arg11: memref<!tpu.dma_semaphore, #tpu.memory_space<semaphore_mem>>) attributes {dimension_semantics = [#tpu.dimension_semantics<core_parallel>, #tpu.dimension_semantics<subcore_parallel>], iteration_bounds = array<i64: 2, 16>, scalar_prefetch = 0 : i64, scratch_operands = 7 : i64, tpu.core_type = #tpu.core_type<sc_vector_subcore>, window_params = [{transform_indices = #map}, {transform_indices = #map1}, {transform_indices = #map1}]} {
    %mul3A = arith.constant 2 : i32
    %mul3A_0 = arith.muli %arg1, %mul3A : i32
    %add3A = arith.addi %mul3A_0, %arg0 : i32
    %mul3A_1 = arith.constant 32768 : i32
    %mul3A_2 = arith.muli %add3A, %mul3A_1 : i32
    %eq3A = arith.constant 0 : i32
    %eq3A_3 = arith.cmpi eq, %arg1, %eq3A : i32
    %convert_element_type3A = arith.extui %eq3A_3 : i1 to i32
    %cond3A = arith.constant 0 : i32
    %cond3A_4 = arith.cmpi ne, %convert_element_type3A, %cond3A : i32
    scf.if %cond3A_4 {
      "tpu.region"() ({
        %run_scoped3A = tpu.sem_alloc : memref<!tpu.dma_semaphore, #tpu.memory_space<semaphore_mem>>
        tpu.enqueue_dma source(%arg3 : memref<100x128xf32, #tpu.memory_space<hbm>>) target(%arg8 : memref<100x128xf32, #tpu.memory_space<vmem_shared>>) target_semaphore(%run_scoped3A : memref<!tpu.dma_semaphore, #tpu.memory_space<semaphore_mem>>)
        tpu.wait_dma2 semaphore(%run_scoped3A : memref<!tpu.dma_semaphore, #tpu.memory_space<semaphore_mem>>) src(%arg3 : memref<100x128xf32, #tpu.memory_space<hbm>>) dst(%arg8 : memref<100x128xf32, #tpu.memory_space<vmem_shared>>)
        tpu.yield
      }) : () -> ()
    } else {
    }
    "tpu.region"() ({
      %run_scoped3A = tpu.sem_alloc : memref<!tpu.dma_semaphore, #tpu.memory_space<semaphore_mem>>
      %dma_start3A_94 = tpu.memref_slice %arg2[%mul3A_2] : memref<1048576xi32, #tpu.memory_space<hbm>> -> memref<32768xi32, #tpu.memory_space<hbm>>
      %dma_start3A_95 = tpu.memref_slice %arg2[%mul3A_2] : memref<1048576xi32, #tpu.memory_space<hbm>> -> memref<32768xi32, #tpu.memory_space<hbm>>
      tpu.enqueue_dma source(%dma_start3A_95 : memref<32768xi32, #tpu.memory_space<hbm>>) target(%arg5 : memref<32768xi32, #tpu.memory_space<vmem>>) target_semaphore(%run_scoped3A : memref<!tpu.dma_semaphore, #tpu.memory_space<semaphore_mem>>)
      %dma_wait3A_96 = tpu.memref_slice %arg2[%mul3A_2] : memref<1048576xi32, #tpu.memory_space<hbm>> -> memref<32768xi32, #tpu.memory_space<hbm>>
      %dma_wait3A_97 = tpu.memref_slice %arg2[%mul3A_2] : memref<1048576xi32, #tpu.memory_space<hbm>> -> memref<32768xi32, #tpu.memory_space<hbm>>
      tpu.wait_dma2 semaphore(%run_scoped3A : memref<!tpu.dma_semaphore, #tpu.memory_space<semaphore_mem>>) src(%dma_wait3A_97 : memref<32768xi32, #tpu.memory_space<hbm>>) dst(%arg5 : memref<32768xi32, #tpu.memory_space<vmem>>)
      tpu.yield
    }) : () -> ()
    %barrier3A = arith.constant 0 : index
    tpu.barrier barrier_id(%barrier3A)
    %dma_start3A = arith.constant 0 : i32
    %dma_start3A_5 = arith.constant 0 : i32
    %dma_start3A_6 = tpu.memref_slice %arg6[%dma_start3A, %dma_start3A_5] : memref<256x128xf32, #tpu.memory_space<vmem>> -> memref<128x128xf32, #tpu.memory_space<vmem>>
    %dma_start3A_7 = arith.constant 0 : i32
    %dma_start3A_8 = tpu.memref_slice %arg5[%dma_start3A_7] : memref<32768xi32, #tpu.memory_space<vmem>> -> memref<128xi32, #tpu.memory_space<vmem>>
    %dma_start3A_9 = arith.constant 0 : i32
    %dma_start3A_10 = arith.constant 0 : i32
    %dma_start3A_11 = tpu.memref_slice %arg8[%dma_start3A_9, %dma_start3A_10] : memref<100x128xf32, #tpu.memory_space<vmem_shared>> -> memref<100x128xf32, #tpu.memory_space<vmem_shared>>
    tpu.enqueue_indirect_dma source(%dma_start3A_11 : memref<100x128xf32, #tpu.memory_space<vmem_shared>>) target(%dma_start3A_6 : memref<128x128xf32, #tpu.memory_space<vmem>>) offsets(%dma_start3A_8 : memref<128xi32, #tpu.memory_space<vmem>>) semaphore(%arg9 : memref<!tpu.dma_semaphore, #tpu.memory_space<semaphore_mem>>)
    %dma_start3A_12 = arith.constant 128 : i32
    %dma_start3A_13 = arith.constant 0 : i32
    %dma_start3A_14 = tpu.memref_slice %arg6[%dma_start3A_12, %dma_start3A_13] : memref<256x128xf32, #tpu.memory_space<vmem>> -> memref<128x128xf32, #tpu.memory_space<vmem>>
    %dma_start3A_15 = arith.constant 128 : i32
    %dma_start3A_16 = tpu.memref_slice %arg5[%dma_start3A_15] : memref<32768xi32, #tpu.memory_space<vmem>> -> memref<128xi32, #tpu.memory_space<vmem>>
    %dma_start3A_17 = arith.constant 0 : i32
    %dma_start3A_18 = arith.constant 0 : i32
    %dma_start3A_19 = tpu.memref_slice %arg8[%dma_start3A_17, %dma_start3A_18] : memref<100x128xf32, #tpu.memory_space<vmem_shared>> -> memref<100x128xf32, #tpu.memory_space<vmem_shared>>
    tpu.enqueue_indirect_dma source(%dma_start3A_19 : memref<100x128xf32, #tpu.memory_space<vmem_shared>>) target(%dma_start3A_14 : memref<128x128xf32, #tpu.memory_space<vmem>>) offsets(%dma_start3A_16 : memref<128xi32, #tpu.memory_space<vmem>>) semaphore(%arg9 : memref<!tpu.dma_semaphore, #tpu.memory_space<semaphore_mem>>)
    %dma_wait3A = arith.constant 0 : i32
    %dma_wait3A_20 = arith.constant 0 : i32
    %dma_wait3A_21 = tpu.memref_slice %arg6[%dma_wait3A, %dma_wait3A_20] : memref<256x128xf32, #tpu.memory_space<vmem>> -> memref<128x128xf32, #tpu.memory_space<vmem>>
    %dma_wait3A_22 = arith.constant 0 : i32
    %dma_wait3A_23 = tpu.memref_slice %arg5[%dma_wait3A_22] : memref<32768xi32, #tpu.memory_space<vmem>> -> memref<128xi32, #tpu.memory_space<vmem>>
    %dma_wait3A_24 = arith.constant 0 : i32
    %dma_wait3A_25 = arith.constant 0 : i32
    %dma_wait3A_26 = tpu.memref_slice %arg8[%dma_wait3A_24, %dma_wait3A_25] : memref<100x128xf32, #tpu.memory_space<vmem_shared>> -> memref<100x128xf32, #tpu.memory_space<vmem_shared>>
    tpu.wait_indirect_dma semaphore(%arg9 : memref<!tpu.dma_semaphore, #tpu.memory_space<semaphore_mem>>) src(%dma_wait3A_26 : memref<100x128xf32, #tpu.memory_space<vmem_shared>>) dst(%dma_wait3A_21 : memref<128x128xf32, #tpu.memory_space<vmem>>)
    %dma_wait3A_27 = arith.constant 128 : i32
    %dma_wait3A_28 = arith.constant 0 : i32
    %dma_wait3A_29 = tpu.memref_slice %arg6[%dma_wait3A_27, %dma_wait3A_28] : memref<256x128xf32, #tpu.memory_space<vmem>> -> memref<128x128xf32, #tpu.memory_space<vmem>>
    %dma_wait3A_30 = arith.constant 128 : i32
    %dma_wait3A_31 = tpu.memref_slice %arg5[%dma_wait3A_30] : memref<32768xi32, #tpu.memory_space<vmem>> -> memref<128xi32, #tpu.memory_space<vmem>>
    %dma_wait3A_32 = arith.constant 0 : i32
    %dma_wait3A_33 = arith.constant 0 : i32
    %dma_wait3A_34 = tpu.memref_slice %arg8[%dma_wait3A_32, %dma_wait3A_33] : memref<100x128xf32, #tpu.memory_space<vmem_shared>> -> memref<100x128xf32, #tpu.memory_space<vmem_shared>>
    tpu.wait_indirect_dma semaphore(%arg9 : memref<!tpu.dma_semaphore, #tpu.memory_space<semaphore_mem>>) src(%dma_wait3A_34 : memref<100x128xf32, #tpu.memory_space<vmem_shared>>) dst(%dma_wait3A_29 : memref<128x128xf32, #tpu.memory_space<vmem>>)
    %dma_start3A_35 = arith.constant 0 : i32
    %dma_start3A_36 = tpu.memref_slice %arg4[%mul3A_2, %dma_start3A_35] : memref<1048576x128xf32, #tpu.memory_space<hbm>> -> memref<256x128xf32, #tpu.memory_space<hbm>>
    %dma_start3A_37 = arith.constant 0 : i32
    %dma_start3A_38 = tpu.memref_slice %arg4[%mul3A_2, %dma_start3A_37] : memref<1048576x128xf32, #tpu.memory_space<hbm>> -> memref<256x128xf32, #tpu.memory_space<hbm>>
    tpu.enqueue_dma source(%arg6 : memref<256x128xf32, #tpu.memory_space<vmem>>) target(%dma_start3A_38 : memref<256x128xf32, #tpu.memory_space<hbm>>) target_semaphore(%arg10 : memref<!tpu.dma_semaphore, #tpu.memory_space<semaphore_mem>>)
    %dma_start3A_39 = arith.constant 0 : i32
    %dma_start3A_40 = arith.constant 0 : i32
    %dma_start3A_41 = tpu.memref_slice %arg7[%dma_start3A_39, %dma_start3A_40] : memref<256x128xf32, #tpu.memory_space<vmem>> -> memref<128x128xf32, #tpu.memory_space<vmem>>
    %dma_start3A_42 = arith.constant 256 : i32
    %dma_start3A_43 = tpu.memref_slice %arg5[%dma_start3A_42] : memref<32768xi32, #tpu.memory_space<vmem>> -> memref<128xi32, #tpu.memory_space<vmem>>
    %dma_start3A_44 = arith.constant 0 : i32
    %dma_start3A_45 = arith.constant 0 : i32
    %dma_start3A_46 = tpu.memref_slice %arg8[%dma_start3A_44, %dma_start3A_45] : memref<100x128xf32, #tpu.memory_space<vmem_shared>> -> memref<100x128xf32, #tpu.memory_space<vmem_shared>>
    tpu.enqueue_indirect_dma source(%dma_start3A_46 : memref<100x128xf32, #tpu.memory_space<vmem_shared>>) target(%dma_start3A_41 : memref<128x128xf32, #tpu.memory_space<vmem>>) offsets(%dma_start3A_43 : memref<128xi32, #tpu.memory_space<vmem>>) semaphore(%arg9 : memref<!tpu.dma_semaphore, #tpu.memory_space<semaphore_mem>>)
    %dma_start3A_47 = arith.constant 128 : i32
    %dma_start3A_48 = arith.constant 0 : i32
    %dma_start3A_49 = tpu.memref_slice %arg7[%dma_start3A_47, %dma_start3A_48] : memref<256x128xf32, #tpu.memory_space<vmem>> -> memref<128x128xf32, #tpu.memory_space<vmem>>
    %dma_start3A_50 = arith.constant 384 : i32
    %dma_start3A_51 = tpu.memref_slice %arg5[%dma_start3A_50] : memref<32768xi32, #tpu.memory_space<vmem>> -> memref<128xi32, #tpu.memory_space<vmem>>
    %dma_start3A_52 = arith.constant 0 : i32
    %dma_start3A_53 = arith.constant 0 : i32
    %dma_start3A_54 = tpu.memref_slice %arg8[%dma_start3A_52, %dma_start3A_53] : memref<100x128xf32, #tpu.memory_space<vmem_shared>> -> memref<100x128xf32, #tpu.memory_space<vmem_shared>>
    tpu.enqueue_indirect_dma source(%dma_start3A_54 : memref<100x128xf32, #tpu.memory_space<vmem_shared>>) target(%dma_start3A_49 : memref<128x128xf32, #tpu.memory_space<vmem>>) offsets(%dma_start3A_51 : memref<128xi32, #tpu.memory_space<vmem>>) semaphore(%arg9 : memref<!tpu.dma_semaphore, #tpu.memory_space<semaphore_mem>>)
    %dma_wait3A_55 = arith.constant 0 : i32
    %dma_wait3A_56 = arith.constant 0 : i32
    %dma_wait3A_57 = tpu.memref_slice %arg7[%dma_wait3A_55, %dma_wait3A_56] : memref<256x128xf32, #tpu.memory_space<vmem>> -> memref<128x128xf32, #tpu.memory_space<vmem>>
    %dma_wait3A_58 = arith.constant 256 : i32
    %dma_wait3A_59 = tpu.memref_slice %arg5[%dma_wait3A_58] : memref<32768xi32, #tpu.memory_space<vmem>> -> memref<128xi32, #tpu.memory_space<vmem>>
    %dma_wait3A_60 = arith.constant 0 : i32
    %dma_wait3A_61 = arith.constant 0 : i32
    %dma_wait3A_62 = tpu.memref_slice %arg8[%dma_wait3A_60, %dma_wait3A_61] : memref<100x128xf32, #tpu.memory_space<vmem_shared>> -> memref<100x128xf32, #tpu.memory_space<vmem_shared>>
    tpu.wait_indirect_dma semaphore(%arg9 : memref<!tpu.dma_semaphore, #tpu.memory_space<semaphore_mem>>) src(%dma_wait3A_62 : memref<100x128xf32, #tpu.memory_space<vmem_shared>>) dst(%dma_wait3A_57 : memref<128x128xf32, #tpu.memory_space<vmem>>)
    %dma_wait3A_63 = arith.constant 128 : i32
    %dma_wait3A_64 = arith.constant 0 : i32
    %dma_wait3A_65 = tpu.memref_slice %arg7[%dma_wait3A_63, %dma_wait3A_64] : memref<256x128xf32, #tpu.memory_space<vmem>> -> memref<128x128xf32, #tpu.memory_space<vmem>>
    %dma_wait3A_66 = arith.constant 384 : i32
    %dma_wait3A_67 = tpu.memref_slice %arg5[%dma_wait3A_66] : memref<32768xi32, #tpu.memory_space<vmem>> -> memref<128xi32, #tpu.memory_space<vmem>>
    %dma_wait3A_68 = arith.constant 0 : i32
    %dma_wait3A_69 = arith.constant 0 : i32
    %dma_wait3A_70 = tpu.memref_slice %arg8[%dma_wait3A_68, %dma_wait3A_69] : memref<100x128xf32, #tpu.memory_space<vmem_shared>> -> memref<100x128xf32, #tpu.memory_space<vmem_shared>>
    tpu.wait_indirect_dma semaphore(%arg9 : memref<!tpu.dma_semaphore, #tpu.memory_space<semaphore_mem>>) src(%dma_wait3A_70 : memref<100x128xf32, #tpu.memory_space<vmem_shared>>) dst(%dma_wait3A_65 : memref<128x128xf32, #tpu.memory_space<vmem>>)
    %add3A_71 = arith.constant 256 : i32
    %add3A_72 = arith.addi %mul3A_2, %add3A_71 : i32
    %dma_start3A_73 = arith.constant 0 : i32
    %dma_start3A_74 = tpu.memref_slice %arg4[%add3A_72, %dma_start3A_73] : memref<1048576x128xf32, #tpu.memory_space<hbm>> -> memref<256x128xf32, #tpu.memory_space<hbm>>
    %dma_start3A_75 = arith.constant 0 : i32
    %dma_start3A_76 = tpu.memref_slice %arg4[%add3A_72, %dma_start3A_75] : memref<1048576x128xf32, #tpu.memory_space<hbm>> -> memref<256x128xf32, #tpu.memory_space<hbm>>
    tpu.enqueue_dma source(%arg7 : memref<256x128xf32, #tpu.memory_space<vmem>>) target(%dma_start3A_76 : memref<256x128xf32, #tpu.memory_space<hbm>>) target_semaphore(%arg11 : memref<!tpu.dma_semaphore, #tpu.memory_space<semaphore_mem>>)
    %scan3A = arith.constant 0 : i32
    %scan3A_77 = arith.constant 1 : i32
    %scan3A_78 = arith.constant 63 : i32
    %scan3A_79 = arith.addi %scan3A_77, %scan3A_78 : i32
    %scan3A_80 = arith.constant 1 : i32
    scf.for %scan3A_94 = %scan3A_77 to %scan3A_79 step %scan3A_80  : i32 {
      %mul3A_95 = arith.constant 512 : i32
      %mul3A_96 = arith.muli %scan3A_94, %mul3A_95 : i32
      %add3A_97 = arith.addi %mul3A_2, %mul3A_96 : i32
      %sub3A = arith.constant 512 : i32
      %sub3A_98 = arith.subi %add3A_97, %sub3A : i32
      %dma_wait3A_99 = arith.constant 0 : i32
      %dma_wait3A_100 = tpu.memref_slice %arg4[%sub3A_98, %dma_wait3A_99] : memref<1048576x128xf32, #tpu.memory_space<hbm>> -> memref<256x128xf32, #tpu.memory_space<hbm>>
      %dma_wait3A_101 = arith.constant 0 : i32
      %dma_wait3A_102 = tpu.memref_slice %arg4[%sub3A_98, %dma_wait3A_101] : memref<1048576x128xf32, #tpu.memory_space<hbm>> -> memref<256x128xf32, #tpu.memory_space<hbm>>
      tpu.wait_dma2 semaphore(%arg10 : memref<!tpu.dma_semaphore, #tpu.memory_space<semaphore_mem>>) src(%arg6 : memref<256x128xf32, #tpu.memory_space<vmem>>) dst(%dma_wait3A_102 : memref<256x128xf32, #tpu.memory_space<hbm>>)
      %mul3A_103 = arith.constant 512 : i32
      %mul3A_104 = arith.muli %scan3A_94, %mul3A_103 : i32
      %add3A_105 = arith.constant 0 : i32
      %add3A_106 = arith.addi %mul3A_104, %add3A_105 : i32
      %dma_start3A_107 = arith.constant 0 : i32
      %dma_start3A_108 = arith.constant 0 : i32
      %dma_start3A_109 = tpu.memref_slice %arg6[%dma_start3A_107, %dma_start3A_108] : memref<256x128xf32, #tpu.memory_space<vmem>> -> memref<128x128xf32, #tpu.memory_space<vmem>>
      %dma_start3A_110 = tpu.memref_slice %arg5[%add3A_106] : memref<32768xi32, #tpu.memory_space<vmem>> -> memref<128xi32, #tpu.memory_space<vmem>>
      %dma_start3A_111 = arith.constant 0 : i32
      %dma_start3A_112 = arith.constant 0 : i32
      %dma_start3A_113 = tpu.memref_slice %arg8[%dma_start3A_111, %dma_start3A_112] : memref<100x128xf32, #tpu.memory_space<vmem_shared>> -> memref<100x128xf32, #tpu.memory_space<vmem_shared>>
      tpu.enqueue_indirect_dma source(%dma_start3A_113 : memref<100x128xf32, #tpu.memory_space<vmem_shared>>) target(%dma_start3A_109 : memref<128x128xf32, #tpu.memory_space<vmem>>) offsets(%dma_start3A_110 : memref<128xi32, #tpu.memory_space<vmem>>) semaphore(%arg9 : memref<!tpu.dma_semaphore, #tpu.memory_space<semaphore_mem>>)
      %add3A_114 = arith.constant 128 : i32
      %add3A_115 = arith.addi %mul3A_104, %add3A_114 : i32
      %dma_start3A_116 = arith.constant 128 : i32
      %dma_start3A_117 = arith.constant 0 : i32
      %dma_start3A_118 = tpu.memref_slice %arg6[%dma_start3A_116, %dma_start3A_117] : memref<256x128xf32, #tpu.memory_space<vmem>> -> memref<128x128xf32, #tpu.memory_space<vmem>>
      %dma_start3A_119 = tpu.memref_slice %arg5[%add3A_115] : memref<32768xi32, #tpu.memory_space<vmem>> -> memref<128xi32, #tpu.memory_space<vmem>>
      %dma_start3A_120 = arith.constant 0 : i32
      %dma_start3A_121 = arith.constant 0 : i32
      %dma_start3A_122 = tpu.memref_slice %arg8[%dma_start3A_120, %dma_start3A_121] : memref<100x128xf32, #tpu.memory_space<vmem_shared>> -> memref<100x128xf32, #tpu.memory_space<vmem_shared>>
      tpu.enqueue_indirect_dma source(%dma_start3A_122 : memref<100x128xf32, #tpu.memory_space<vmem_shared>>) target(%dma_start3A_118 : memref<128x128xf32, #tpu.memory_space<vmem>>) offsets(%dma_start3A_119 : memref<128xi32, #tpu.memory_space<vmem>>) semaphore(%arg9 : memref<!tpu.dma_semaphore, #tpu.memory_space<semaphore_mem>>)
      %dma_wait3A_123 = arith.constant 0 : i32
      %dma_wait3A_124 = arith.constant 0 : i32
      %dma_wait3A_125 = tpu.memref_slice %arg6[%dma_wait3A_123, %dma_wait3A_124] : memref<256x128xf32, #tpu.memory_space<vmem>> -> memref<128x128xf32, #tpu.memory_space<vmem>>
      %dma_wait3A_126 = tpu.memref_slice %arg5[%add3A_106] : memref<32768xi32, #tpu.memory_space<vmem>> -> memref<128xi32, #tpu.memory_space<vmem>>
      %dma_wait3A_127 = arith.constant 0 : i32
      %dma_wait3A_128 = arith.constant 0 : i32
      %dma_wait3A_129 = tpu.memref_slice %arg8[%dma_wait3A_127, %dma_wait3A_128] : memref<100x128xf32, #tpu.memory_space<vmem_shared>> -> memref<100x128xf32, #tpu.memory_space<vmem_shared>>
      tpu.wait_indirect_dma semaphore(%arg9 : memref<!tpu.dma_semaphore, #tpu.memory_space<semaphore_mem>>) src(%dma_wait3A_129 : memref<100x128xf32, #tpu.memory_space<vmem_shared>>) dst(%dma_wait3A_125 : memref<128x128xf32, #tpu.memory_space<vmem>>)
      %dma_wait3A_130 = arith.constant 128 : i32
      %dma_wait3A_131 = arith.constant 0 : i32
      %dma_wait3A_132 = tpu.memref_slice %arg6[%dma_wait3A_130, %dma_wait3A_131] : memref<256x128xf32, #tpu.memory_space<vmem>> -> memref<128x128xf32, #tpu.memory_space<vmem>>
      %dma_wait3A_133 = tpu.memref_slice %arg5[%add3A_115] : memref<32768xi32, #tpu.memory_space<vmem>> -> memref<128xi32, #tpu.memory_space<vmem>>
      %dma_wait3A_134 = arith.constant 0 : i32
      %dma_wait3A_135 = arith.constant 0 : i32
      %dma_wait3A_136 = tpu.memref_slice %arg8[%dma_wait3A_134, %dma_wait3A_135] : memref<100x128xf32, #tpu.memory_space<vmem_shared>> -> memref<100x128xf32, #tpu.memory_space<vmem_shared>>
      tpu.wait_indirect_dma semaphore(%arg9 : memref<!tpu.dma_semaphore, #tpu.memory_space<semaphore_mem>>) src(%dma_wait3A_136 : memref<100x128xf32, #tpu.memory_space<vmem_shared>>) dst(%dma_wait3A_132 : memref<128x128xf32, #tpu.memory_space<vmem>>)
      %dma_start3A_137 = arith.constant 0 : i32
      %dma_start3A_138 = tpu.memref_slice %arg4[%add3A_97, %dma_start3A_137] : memref<1048576x128xf32, #tpu.memory_space<hbm>> -> memref<256x128xf32, #tpu.memory_space<hbm>>
      %dma_start3A_139 = arith.constant 0 : i32
      %dma_start3A_140 = tpu.memref_slice %arg4[%add3A_97, %dma_start3A_139] : memref<1048576x128xf32, #tpu.memory_space<hbm>> -> memref<256x128xf32, #tpu.memory_space<hbm>>
      tpu.enqueue_dma source(%arg6 : memref<256x128xf32, #tpu.memory_space<vmem>>) target(%dma_start3A_140 : memref<256x128xf32, #tpu.memory_space<hbm>>) target_semaphore(%arg10 : memref<!tpu.dma_semaphore, #tpu.memory_space<semaphore_mem>>)
      %sub3A_141 = arith.constant 256 : i32
      %sub3A_142 = arith.subi %add3A_97, %sub3A_141 : i32
      %dma_wait3A_143 = arith.constant 0 : i32
      %dma_wait3A_144 = tpu.memref_slice %arg4[%sub3A_142, %dma_wait3A_143] : memref<1048576x128xf32, #tpu.memory_space<hbm>> -> memref<256x128xf32, #tpu.memory_space<hbm>>
      %dma_wait3A_145 = arith.constant 0 : i32
      %dma_wait3A_146 = tpu.memref_slice %arg4[%sub3A_142, %dma_wait3A_145] : memref<1048576x128xf32, #tpu.memory_space<hbm>> -> memref<256x128xf32, #tpu.memory_space<hbm>>
      tpu.wait_dma2 semaphore(%arg11 : memref<!tpu.dma_semaphore, #tpu.memory_space<semaphore_mem>>) src(%arg7 : memref<256x128xf32, #tpu.memory_space<vmem>>) dst(%dma_wait3A_146 : memref<256x128xf32, #tpu.memory_space<hbm>>)
      %mul3A_147 = arith.constant 512 : i32
      %mul3A_148 = arith.muli %scan3A_94, %mul3A_147 : i32
      %add3A_149 = arith.constant 256 : i32
      %add3A_150 = arith.addi %mul3A_148, %add3A_149 : i32
      %add3A_151 = arith.constant 0 : i32
      %add3A_152 = arith.addi %add3A_150, %add3A_151 : i32
      %dma_start3A_153 = arith.constant 0 : i32
      %dma_start3A_154 = arith.constant 0 : i32
      %dma_start3A_155 = tpu.memref_slice %arg7[%dma_start3A_153, %dma_start3A_154] : memref<256x128xf32, #tpu.memory_space<vmem>> -> memref<128x128xf32, #tpu.memory_space<vmem>>
      %dma_start3A_156 = tpu.memref_slice %arg5[%add3A_152] : memref<32768xi32, #tpu.memory_space<vmem>> -> memref<128xi32, #tpu.memory_space<vmem>>
      %dma_start3A_157 = arith.constant 0 : i32
      %dma_start3A_158 = arith.constant 0 : i32
      %dma_start3A_159 = tpu.memref_slice %arg8[%dma_start3A_157, %dma_start3A_158] : memref<100x128xf32, #tpu.memory_space<vmem_shared>> -> memref<100x128xf32, #tpu.memory_space<vmem_shared>>
      tpu.enqueue_indirect_dma source(%dma_start3A_159 : memref<100x128xf32, #tpu.memory_space<vmem_shared>>) target(%dma_start3A_155 : memref<128x128xf32, #tpu.memory_space<vmem>>) offsets(%dma_start3A_156 : memref<128xi32, #tpu.memory_space<vmem>>) semaphore(%arg9 : memref<!tpu.dma_semaphore, #tpu.memory_space<semaphore_mem>>)
      %add3A_160 = arith.constant 128 : i32
      %add3A_161 = arith.addi %add3A_150, %add3A_160 : i32
      %dma_start3A_162 = arith.constant 128 : i32
      %dma_start3A_163 = arith.constant 0 : i32
      %dma_start3A_164 = tpu.memref_slice %arg7[%dma_start3A_162, %dma_start3A_163] : memref<256x128xf32, #tpu.memory_space<vmem>> -> memref<128x128xf32, #tpu.memory_space<vmem>>
      %dma_start3A_165 = tpu.memref_slice %arg5[%add3A_161] : memref<32768xi32, #tpu.memory_space<vmem>> -> memref<128xi32, #tpu.memory_space<vmem>>
      %dma_start3A_166 = arith.constant 0 : i32
      %dma_start3A_167 = arith.constant 0 : i32
      %dma_start3A_168 = tpu.memref_slice %arg8[%dma_start3A_166, %dma_start3A_167] : memref<100x128xf32, #tpu.memory_space<vmem_shared>> -> memref<100x128xf32, #tpu.memory_space<vmem_shared>>
      tpu.enqueue_indirect_dma source(%dma_start3A_168 : memref<100x128xf32, #tpu.memory_space<vmem_shared>>) target(%dma_start3A_164 : memref<128x128xf32, #tpu.memory_space<vmem>>) offsets(%dma_start3A_165 : memref<128xi32, #tpu.memory_space<vmem>>) semaphore(%arg9 : memref<!tpu.dma_semaphore, #tpu.memory_space<semaphore_mem>>)
      %dma_wait3A_169 = arith.constant 0 : i32
      %dma_wait3A_170 = arith.constant 0 : i32
      %dma_wait3A_171 = tpu.memref_slice %arg7[%dma_wait3A_169, %dma_wait3A_170] : memref<256x128xf32, #tpu.memory_space<vmem>> -> memref<128x128xf32, #tpu.memory_space<vmem>>
      %dma_wait3A_172 = tpu.memref_slice %arg5[%add3A_152] : memref<32768xi32, #tpu.memory_space<vmem>> -> memref<128xi32, #tpu.memory_space<vmem>>
      %dma_wait3A_173 = arith.constant 0 : i32
      %dma_wait3A_174 = arith.constant 0 : i32
      %dma_wait3A_175 = tpu.memref_slice %arg8[%dma_wait3A_173, %dma_wait3A_174] : memref<100x128xf32, #tpu.memory_space<vmem_shared>> -> memref<100x128xf32, #tpu.memory_space<vmem_shared>>
      tpu.wait_indirect_dma semaphore(%arg9 : memref<!tpu.dma_semaphore, #tpu.memory_space<semaphore_mem>>) src(%dma_wait3A_175 : memref<100x128xf32, #tpu.memory_space<vmem_shared>>) dst(%dma_wait3A_171 : memref<128x128xf32, #tpu.memory_space<vmem>>)
      %dma_wait3A_176 = arith.constant 128 : i32
      %dma_wait3A_177 = arith.constant 0 : i32
      %dma_wait3A_178 = tpu.memref_slice %arg7[%dma_wait3A_176, %dma_wait3A_177] : memref<256x128xf32, #tpu.memory_space<vmem>> -> memref<128x128xf32, #tpu.memory_space<vmem>>
      %dma_wait3A_179 = tpu.memref_slice %arg5[%add3A_161] : memref<32768xi32, #tpu.memory_space<vmem>> -> memref<128xi32, #tpu.memory_space<vmem>>
      %dma_wait3A_180 = arith.constant 0 : i32
      %dma_wait3A_181 = arith.constant 0 : i32
      %dma_wait3A_182 = tpu.memref_slice %arg8[%dma_wait3A_180, %dma_wait3A_181] : memref<100x128xf32, #tpu.memory_space<vmem_shared>> -> memref<100x128xf32, #tpu.memory_space<vmem_shared>>
      tpu.wait_indirect_dma semaphore(%arg9 : memref<!tpu.dma_semaphore, #tpu.memory_space<semaphore_mem>>) src(%dma_wait3A_182 : memref<100x128xf32, #tpu.memory_space<vmem_shared>>) dst(%dma_wait3A_178 : memref<128x128xf32, #tpu.memory_space<vmem>>)
      %add3A_183 = arith.constant 256 : i32
      %add3A_184 = arith.addi %add3A_97, %add3A_183 : i32
      %dma_start3A_185 = arith.constant 0 : i32
      %dma_start3A_186 = tpu.memref_slice %arg4[%add3A_184, %dma_start3A_185] : memref<1048576x128xf32, #tpu.memory_space<hbm>> -> memref<256x128xf32, #tpu.memory_space<hbm>>
      %dma_start3A_187 = arith.constant 0 : i32
      %dma_start3A_188 = tpu.memref_slice %arg4[%add3A_184, %dma_start3A_187] : memref<1048576x128xf32, #tpu.memory_space<hbm>> -> memref<256x128xf32, #tpu.memory_space<hbm>>
      tpu.enqueue_dma source(%arg7 : memref<256x128xf32, #tpu.memory_space<vmem>>) target(%dma_start3A_188 : memref<256x128xf32, #tpu.memory_space<hbm>>) target_semaphore(%arg11 : memref<!tpu.dma_semaphore, #tpu.memory_space<semaphore_mem>>)
    }
    %scan3A_81 = arith.constant 63 : i32
    %add3A_82 = arith.constant 32256 : i32
    %add3A_83 = arith.addi %mul3A_2, %add3A_82 : i32
    %dma_wait3A_84 = arith.constant 0 : i32
    %dma_wait3A_85 = tpu.memref_slice %arg4[%add3A_83, %dma_wait3A_84] : memref<1048576x128xf32, #tpu.memory_space<hbm>> -> memref<256x128xf32, #tpu.memory_space<hbm>>
    %dma_wait3A_86 = arith.constant 0 : i32
    %dma_wait3A_87 = tpu.memref_slice %arg4[%add3A_83, %dma_wait3A_86] : memref<1048576x128xf32, #tpu.memory_space<hbm>> -> memref<256x128xf32, #tpu.memory_space<hbm>>
    tpu.wait_dma2 semaphore(%arg10 : memref<!tpu.dma_semaphore, #tpu.memory_space<semaphore_mem>>) src(%arg6 : memref<256x128xf32, #tpu.memory_space<vmem>>) dst(%dma_wait3A_87 : memref<256x128xf32, #tpu.memory_space<hbm>>)
    %add3A_88 = arith.constant 256 : i32
    %add3A_89 = arith.addi %add3A_83, %add3A_88 : i32
    %dma_wait3A_90 = arith.constant 0 : i32
    %dma_wait3A_91 = tpu.memref_slice %arg4[%add3A_89, %dma_wait3A_90] : memref<1048576x128xf32, #tpu.memory_space<hbm>> -> memref<256x128xf32, #tpu.memory_space<hbm>>
    %dma_wait3A_92 = arith.constant 0 : i32
    %dma_wait3A_93 = tpu.memref_slice %arg4[%add3A_89, %dma_wait3A_92] : memref<1048576x128xf32, #tpu.memory_space<hbm>> -> memref<256x128xf32, #tpu.memory_space<hbm>>
    tpu.wait_dma2 semaphore(%arg11 : memref<!tpu.dma_semaphore, #tpu.memory_space<semaphore_mem>>) src(%arg7 : memref<256x128xf32, #tpu.memory_space<vmem>>) dst(%dma_wait3A_93 : memref<256x128xf32, #tpu.memory_space<hbm>>)
    return
  }
}

</mosaic_0001>

<sc_bundles>
// kernel: kernel.3.cloned.1.call-start
scs
__scs_entry_jumppad:
0x0: {  	(pc) =	sbr.rel $0x88, $3  }
0x1: {  	(tag) =	ssettag $0x0;
	lr =	simm.s32 $0x1  }
0x2: {  	[smem:$0x3F9F] =	sst lr;
	_ =	strace $0xD0000000  }
0x3: {  	_ = 	snop  }
0x4: {  	_ = 	snop  }
0x5: {  	_ = 	snop  }
0x6: {  	_ = 	snop  }
0x7: {  	_ = 	snop  }
__scs_overlays_trampoline_lowered:
0x8: {  	[smem:$0x3FAE] =	sst s0  }
0x9: {  	[smem:$0x3FAF] =	sst s1  }
0xa: {  	[smem:$0x3FB0] =	sst s2  }
0xb: {  	[smem:$0x3FB1] =	sst s3  }
0xc: {  	[smem:$0x3FB2] =	sst s4  }
0xd: {  	[smem:$0x3FB3] =	sst s5  }
0xe: {  	[smem:$0x3FB4] =	sst s6  }
0xf: {  	[smem:$0x3FB5] =	sst s7  }
0x10: {  	[smem:$0x3FB6] =	sst s8  }
0x11: {  	[smem:$0x3FB7] =	sst s9;
	s0 =	simm.s32 @!p0 $0x0  }
0x12: {  	s1 =	sld [smem:$0x3F9D];
	s0 =	simm.s32 @p0 $0x1  }
0x13: {  	[smem:$0x3FB8] =	sst s0;
	s0 =	simm.s32 @!p1 $0x0  }
0x14: {  	s2 =	sld [smem:$0x3F9C];
	s0 =	simm.s32 @p1 $0x1  }
0x15: {  	[smem:$0x3FB9] =	sst s0;
	s0 =	simm.s32 @!p2 $0x0  }
0x16: {  	s3 =	sld [smem:$0x3FDB];
	s0 =	simm.s32 @p2 $0x1  }
0x17: {  	s4 =	simm.s32 $0x1BF5;
	[smem:$0x3FBB] =	sst s0  }
0x18: {  	s0 =	sld [smem:$0x3F9E];
	_ =	swait.ge [sflag:s4], $0x0  }
0x19: {  	s7 =	sld [smem:$0x3F9F]  }
0x1a: {  	s8 =	sadd.s32 $0xFFFFE003, lr  }
0x1b: {  	s9 =	sadd.s32 $0xFFFFFEF7, lr;
	s5 =	simm.s32 $0xFFFFFFFF;
	p2 =	slt.u32 s8, $0xFFFFF086  }
0x1c: {  	p1 =	slt.u32 s9, $0xF7A;
	s5 =	simm.s32 @!p2 $0x0  }
0x1d: {  	s5 =	simm.s32 @p1 $0x1;
	p0 =	seq.s32 s7, s2  }
0x1e: {  	s7 =	smul.u32 @!p0 $0xF7A, s2;
	p2 =	seq.s32 @!p0 s5, $0x0  }
0x1f: {  	s9 =	smul.u32 $0xF7A, s1;
	s8 =	simm.s32 @!p0 $0x1BF5;
	p2 =	por !p2, p0  }
0x20: {  	[sflag:s8] =	ssyncset.s32 @!p0 $0xFFFFF086;
	s6 =	sadd.s32 @!p0 s3, s7;
	s7 =	simm.s32 @!p0 $0x108  }
0x21: {  	s3 =	sadd.s32 s3, s9;
	s6 =	sadd.s32 @!p0 $0x88, s6;
	s7 =	simm.s32 @p2 $0x1082  }
0x22: {  	[simem:s7], [sflag:s8] =	dma.local @!p0 [hbm:s6], $0xF7A  }
0x23: {  	s9 =	sor.u32 $0xD0000000, s2;
	s6 =	simm.s32 $0x108;
	_ =	swait.ge @!p0 [sflag:s8], $0x0  }
0x24: {  	s3 =	sadd.s32 $0x88, s3;
	s6 =	simm.s32 @!p1 $0x1082;
	[sflag:s4] =	ssyncset.s32 $0xFFFFF086  }
0x25: {  	[simem:s6], [sflag:s4] =	dma.local [hbm:s3], $0xF7A  }
0x26: {  	[smem:$0x3F9F] =	sst s1;
	(tag) =	ssettag s2;
	_ =	strace s9  }
0x27: {  	s1 =	sld [smem:$0x3FAF]  }
0x28: {  	s2 =	sld [smem:$0x3FB0]  }
0x29: {  	s4 =	sld [smem:$0x3FB2]  }
0x2a: {  	p0 =	seq.s32 s5, $0x0;
	s5 =	sld [smem:$0x3FB3]  }
0x2b: {  	s6 =	sld [smem:$0x3FB4]  }
0x2c: {  	s7 =	sld [smem:$0x3FB5]  }
0x2d: {  	s3 =	simm.s32 $0x108;
	s8 =	sld [smem:$0x3FB6]  }
0x2e: {  	s3 =	simm.s32 @!p0 $0x1082;
	s9 =	sld [smem:$0x3FB7]  }
0x2f: {  	lr =	sadd.s32 s0, s3;
	s0 =	sld [smem:$0x3FAE]  }
0x30: {  	s3 =	sld [smem:$0x3FB1]  }
0x31: {  	[smem:$0x3FBA] =	sst s10  }
0x32: {  	s10 =	sld [smem:$0x3FB8];
	_ =	sdelay $0x3  }
0x33: {  	p0 =	seq.s32 s10, $0x1;
	s10 =	sld [smem:$0x3FBA];
	_ =	sdelay $0x3  }
0x34: {  	[smem:$0x3FBA] =	sst s10  }
0x35: {  	s10 =	sld [smem:$0x3FB9];
	_ =	sdelay $0x3  }
0x36: {  	p1 =	seq.s32 s10, $0x1;
	s10 =	sld [smem:$0x3FBA];
	_ =	sdelay $0x3  }
0x37: {  	[smem:$0x3FBA] =	sst s10  }
0x38: {  	s10 =	sld [smem:$0x3FBB]  }
0x39: {  	_ = 	snop;
	(pc) =	sbr.ind lr, $3  }
0x3a: {  	_ = 	snop  }
0x3b: {  	_ = 	snop  }
0x3c: {  	p2 =	seq.s32 s10, $0x1;
	s10 =	sld [smem:$0x3FBA]  }
0x3d: {  	_ =	shalt  }
0x3e: {  	_ =	shalt  }
0x3f: {  	_ =	shalt  }
0x40: {  	_ =	shalt  }
0x41: {  	_ =	shalt  }
0x42: {  	_ =	shalt  }
0x43: {  	_ =	shalt  }
0x44: {  	_ =	shalt  }
0x45: {  	_ =	shalt  }
0x46: {  	_ =	shalt  }
0x47: {  	_ =	shalt  }
0x48: {  	_ =	shalt  }
0x49: {  	_ =	shalt  }
0x4a: {  	_ =	shalt  }
0x4b: {  	_ =	shalt  }
0x4c: {  	_ =	shalt  }
0x4d: {  	_ =	shalt  }
0x4e: {  	_ =	shalt  }
0x4f: {  	_ =	shalt  }
0x50: {  	_ =	shalt  }
0x51: {  	_ =	shalt  }
0x52: {  	_ =	shalt  }
0x53: {  	_ =	shalt  }
0x54: {  	_ =	shalt  }
0x55: {  	_ =	shalt  }
0x56: {  	_ =	shalt  }
0x57: {  	_ =	shalt  }
0x58: {  	_ =	shalt  }
0x59: {  	_ =	shalt  }
0x5a: {  	_ =	shalt  }
0x5b: {  	_ =	shalt  }
0x5c: {  	_ =	shalt  }
0x5d: {  	_ =	shalt  }
0x5e: {  	_ =	shalt  }
0x5f: {  	_ =	shalt  }
0x60: {  	_ =	shalt  }
0x61: {  	_ =	shalt  }
0x62: {  	_ =	shalt  }
0x63: {  	_ =	shalt  }
0x64: {  	_ =	shalt  }
0x65: {  	_ =	shalt  }
0x66: {  	_ =	shalt  }
0x67: {  	_ =	shalt  }
0x68: {  	_ =	shalt  }
0x69: {  	_ =	shalt  }
0x6a: {  	_ =	shalt  }
0x6b: {  	_ =	shalt  }
0x6c: {  	_ =	shalt  }
0x6d: {  	_ =	shalt  }
0x6e: {  	_ =	shalt  }
0x6f: {  	_ =	shalt  }
0x70: {  	_ =	shalt  }
0x71: {  	_ =	shalt  }
0x72: {  	_ =	shalt  }
0x73: {  	_ =	shalt  }
0x74: {  	_ =	shalt  }
0x75: {  	_ =	shalt  }
0x76: {  	_ =	shalt  }
0x77: {  	_ =	shalt  }
0x78: {  	_ =	shalt  }
0x79: {  	_ =	shalt  }
0x7a: {  	_ =	shalt  }
0x7b: {  	_ =	shalt  }
0x7c: {  	_ =	shalt  }
0x7d: {  	_ =	shalt  }
0x7e: {  	_ =	shalt  }
0x7f: {  	_ =	shalt  }
0x80: {  	_ =	shalt  }
0x81: {  	_ =	shalt  }
0x82: {  	_ =	shalt  }
0x83: {  	_ =	shalt  }
0x84: {  	_ =	shalt  }
0x85: {  	_ =	shalt  }
0x86: {  	_ =	shalt  }
0x87: {  	_ =	shalt  }
.Lfunc_end0:
.L_simem_size_0:
called_computation_lowered:
.L_overlay_start_0:
0x88: {  	s2 =	sld [smem:$0x3FD9]  }
0x89: {  	s3 =	sld [smem:$0x3FFE];
	_ =	sdelay $0x1  }
0x8a: {  	s1 =	srdreg.scid  }
0x8b: {  	s0 =	sand.u32 $0x1, s1  }
0x8c: {  	s18 =	sshll.u32 s0, $0xA;
	s2 =	sadd.s32 s3, s2  }
0x8d: {  	s2 =	sadd.s32 s2, s18  }
0x8e: {  	[smem:$0x3FC6] =	sst s2  }
0x8f: {  	_ = 	snop  }
0x90: {  	s2 =	sld [smem:$0x3FC9]  }
0x91: {  	s19 =	sld [smem:$0x3FC8]  }
0x92: {  	s4 =	sld [smem:$0x3FD0];
	(tm) =	ssettm $0x1  }
0x93: {  	s5 =	sld [smem:$0x3FFB];
	_ =	sdelay $0x3  }
0x94: {  	_ =	strace s5  }
0x95: {  	s5 =	sld [smem:$0x3FFC];
	_ =	sdelay $0x3  }
0x96: {  	_ =	strace s5  }
0x97: {  	s5 =	sld [smem:$0x3FFD];
	_ =	sdelay $0x3  }
0x98: {  	_ =	strace s5  }
0x99: {  	_ =	strace $0x8FFFFFFF  }
0x9a: {  	s20 =	sld [smem:$0x3FDB];
	_ =	sdelay $0x1  }
0x9b: {  	s6 =	simm.s32 $_scs_section_size  }
0x9c: {  	s7 =	simm.s32 $_size__tile_overlayer_lowered;
	s8 =	simm.s32 $_tile_overlayer_lowered  }
0x9d: {  	s23 =	simm.s32 $0x1BFF;
	s22 =	sshll.u32 s8, $0x1;
	s5 =	sadd.s32 s6, s20  }
0x9e: {  	s9 =	simm.s32 $0x0;
	s21 =	sshll.u32 s7, $0x1;
	s7 =	sadd.s32 s22, s5  }
0x9f: {  	[timem:s9], [sflag:s23] =	dma.local [hbm:s7], s21  }
0xa0: {  	_ =	swait.ge [sflag:s23], s21  }
0xa1: {  	s6 =	ssub.s32 $0x0, s21;
	[sflag:s23] =	ssyncset.done $0x0  }
0xa2: {  	[sflag:s23] =	ssyncadd.s32 s6;
	_ =	sdelay $0x1  }
0xa3: {  	s24 =	simm.s32 $0x1B8B  }
0xa4: {  	_ =	swait.ge [sflag:s24], $0x1  }
0xa5: {  	[sflag:s24] =	ssyncset.done $0x0  }
0xa6: {  	s25 =	simm.s32 $0x1B8E;
	[sflag:s24] =	ssyncadd.s32 $0xFFFFFFFF  }
0xa7: {  	s26 =	simm.s32 $execute0_lowered;
	[smem:$0x3FD2] =	sst s25  }
0xa8: {  	s6 =	sshll.u32 s26, $0x1;
	_ =	strace $0x80000046;
	[dreg:$0x1] =	wrdreg $0xFFFFFFFF  }
0xa9: {  	s28 =	simm.s32 $_size_execute0_lowered;
	s5 =	sadd.s32 s5, s6;
	[dreg:$0x0] =	wrdreg $0x0  }
0xaa: {  	s6 =	sshll.u32 s28, $0x1;
	[dreg:$0x2] =	wrdreg s5  }
0xab: {  	[dreg:$0x3] =	wrdreg s6  }
0xac: {  	[dreg:$0x4] =	wrdreg $0xC0  }
0xad: {  	_ =	task [dreg:s9], $0x5FFFF  }
0xae: {  	[dreg:$0x1] =	wrdreg $0xFFFFFFFF  }
0xaf: {  	[dreg:$0x0] =	wrdreg $0x60  }
0xb0: {  	[dreg:$0x2] =	wrdreg s2  }
0xb1: {  	[dreg:$0x3] =	wrdreg s19  }
0xb2: {  	[dreg:$0x4] =	wrdreg s4  }
0xb3: {  	[dreg:$0x5] =	wrdreg $0x180000  }
0xb4: {  	[dreg:$0x6] =	wrdreg $0x9  }
0xb5: {  	_ =	task.clear_ibuf [dreg:s9], $0x7FFFF;
	_ =	strace $0x90000046  }
0xb6: {  	s29 =	simm.s32 $0x9;
	_ =	strace $0x80000048  }
0xb7: {  	_ =	swait.ge [sflag:s29], $0x1  }
0xb8: {  	[sflag:s29] =	ssyncadd.s32 $0xFFFFFFFF  }
0xb9: {  	_ =	strace $0x90000048  }
0xba: {  	_ =	sfence  }
0xbb: {  	s30 =	sld [smem:$0x0];
	_ =	sdelay $0x2  }
0xbc: {  	s31 =	sshll.u32 s1, $0xD;
	s1 =	sshrl.u32 s1, $0x2  }
0xbd: {  	s3 =	sand.u32 $0x4000, s31;
	s1 =	sadd.s32 s1, s30  }
0xbe: {  	s0 =	sor.u32 s3, s0;
	s1 =	sshll.u32 s1, $0x11  }
0xbf: {  	s0 =	sor.u32 s1, s0  }
0xc0: {  	s0 =	sadd.s32 $0x8F2B, s0  }
0xc1: {  	[sflag:s0] =	ssyncadd.remote.s32 $0x1  }
0xc2: {  	_ =	sfence.sel $0xFFFF  }
0xc3: {  	[dreg:$0x0] =	wrdreg $0xFFFFFFFF;
	(pc) =	sbr.abs _section_cstart, $3  }
0xc4: {  	[dreg:$0x1] =	wrdreg $0xFFFFFFFF  }
0xc5: {  	_ =	task.clear_ibuf [dreg:s9], $0x2FFFF;
	_ =	strace $0x9FFFFFFF  }
0xc6: {  	(tm) =	ssettm $0x7FFFFFFF  }
0xc7: {  	_ =	shalt  }
tec
execute0_lowered:
.L_overlay_start_1:
0x0: {  	(tag) =	ssettag $0x1  }
0x1: {  	s4 =	rddreg [dreg:$0x0]  }
0x2: {  	s1 =	rddreg [dreg:$0x1]  }
0x3: {  	s6 =	rddreg [dreg:$0x2]  }
0x4: {  	s2 =	rddreg [dreg:$0x3]  }
0x5: {  	s0 =	rddreg [dreg:$0x4];
	s5 =	srdreg.scid  }
0x6: {  	s3 =	simm.s32 $0x0;
	s7 =	stileid.u32;
	s12 =	simm.s32 $0x8000  }
0x7: {  	s13 =	simm.s32 $0xC000;
	s14 =	simm.s32 $0x1;
	s15 =	simm.s32 $0x100  }
0x8: {  	s16 =	simm.s32 $0x10000;
	s17 =	simm.s32 $0x180;
	s18 =	simm.s32 $0x14000  }
0x9: {  	s19 =	simm.s32 $0x2;
	s20 =	simm.s32 $0x3;
	s21 =	simm.s32 $0x0  }
0xa: {  	s8 =	sand.u32 $0x1, s5;
	s9 =	sshll.u32 s7, $0x10;
	[smem:$0x7FF] =	sst s3  }
0xb: {  	s31 =	sshll.u32 s7, $0x14;
	p0 =	sne.s32 s7, $0x0;
	s5 =	ssub.s32 $0x2, s8  }
0xc: {  	s10 =	sshll.u32 s8, $0xF;
	_ =	strace $0x80000047;
	s8 =	sshll.u32 s8, $0x13  }
0xd: {  	s11 =	sshrl.u32 s5, $0x1;
	s9 =	sor.u32 s10, s9;
	s10 =	simm.s32 $0x4  }
0xe: {  	s28 =	ssub.s32 s5, s11;
	s29 =	sshrl.u32 s9, $0x3;
	s30 =	sshll.u32 s9, $0x4  }
0xf: {  	s9 =	sadd.s32 s31, s6;
	s11 =	simm.s32 $0x80;
	s4 =	sadd.s32 s4, s29  }
0x10: {  	s5 =	sadd.s32 s6, s30;
	s8 =	sadd.s32 s8, s9;
	s7 =	smax.u32 s28, $0x1  }
0x11: {  	s9 =	sshrl.u32 @!p0 s2, $0x3;
	s6 =	sadd.s32 $0x1000, s5;
	s8 =	sadd.s32 $0x3000, s8  }
.LBB2_1:
0x12: {  	s22 =	simm.s32 @!p0 $0x1C04  }
0x13: {  	[spmem:s9], [sflag:s22] =	dma.local @!p0 [hbm:s1], $0x640  }
0x14: {  	s22 =	simm.s32 @!p0 $0x4  }
0x15: {  	_ =	swait.ge @!p0 [sflag:s22], $0x640  }
0x16: {  	[sflag:s22] =	ssyncset.done @!p0 $0x0  }
0x17: {  	[sflag:s22] =	ssyncadd.s32 @!p0 $0xFFFFF9C0  }
0x18: {  	[tilespmem:s3], [sflag:$0x4] =	stream.linear.gather [hbm4b:s4+s3], $0x8000, $0x38;
	[tilespmem:$0x18320] =	vst v63  }
0x19: {  	_ =	swait.ge [sflag:s10], $0x8000  }
0x1a: {  	[sflag:s10] =	ssyncset.done $0x0  }
0x1b: {  	[sflag:s10] =	ssyncadd.s32 $0xFFFF8000  }
0x1c: {  	[bflag:$0x0] =	sbarrier.arrive $0xFFFF  }
0x1d: {  	[tilespmem:s12], [sflag:$0x1] =	stream.indirect.gather [spmem:s2], $0x80, s3, s11, $0xb8;
	[tilespmem:$0x18320] =	vst v63  }
0x1e: {  	_ = 	snop  }
0x1f: {  	[tilespmem:s13], [sflag:$0x1] =	stream.indirect.gather [spmem:s2], $0x80, s11, s11, $0xb8;
	[tilespmem:$0x18320] =	vst v63  }
0x20: {  	_ =	swait.ge [sflag:s14], $0x4000  }
0x21: {  	[sflag:s14] =	ssyncset.done $0x0  }
0x22: {  	[sflag:s14] =	ssyncadd.s32 $0xFFFFC000  }
0x23: {  	_ =	swait.ge [sflag:s14], $0x4000  }
0x24: {  	[sflag:s14] =	ssyncset.done $0x0  }
0x25: {  	[sflag:s14] =	ssyncadd.s32 $0xFFFFC000  }
0x26: {  	[hbm4b:s5+s3] =	stream.linear.scatter [tilespmem:s12], [sflag:$0x2], $0x8000, $0x38;
	[tilespmem:$0x18320] =	vst v63  }
0x27: {  	_ = 	snop  }
0x28: {  	[tilespmem:s16], [sflag:$0x1] =	stream.indirect.gather [spmem:s2], $0x80, s15, s11, $0xb8;
	[tilespmem:$0x18320] =	vst v63  }
0x29: {  	_ = 	snop  }
0x2a: {  	[tilespmem:s18], [sflag:$0x1] =	stream.indirect.gather [spmem:s2], $0x80, s17, s11, $0xb8;
	[tilespmem:$0x18320] =	vst v63  }
0x2b: {  	_ =	swait.ge [sflag:s14], $0x4000  }
0x2c: {  	[sflag:s14] =	ssyncset.done $0x0  }
0x2d: {  	[sflag:s14] =	ssyncadd.s32 $0xFFFFC000  }
0x2e: {  	_ =	swait.ge [sflag:s14], $0x4000  }
0x2f: {  	[sflag:s14] =	ssyncset.done $0x0  }
0x30: {  	[sflag:s14] =	ssyncadd.s32 $0xFFFFC000  }
0x31: {  	[hbm4b:s6+s3] =	stream.linear.scatter [tilespmem:s16], [sflag:$0x3], $0x8000, $0x38;
	[tilespmem:$0x18320] =	vst v63  }
0x32: {  	_ =	swait.ge [sflag:s19], $0x8000  }
0x33: {  	[sflag:s19] =	ssyncset.done $0x0  }
0x34: {  	s26 =	simm.s32 $0x200;
	[sflag:s19] =	ssyncadd.s32 $0xFFFF8000  }
0x35: {  	[tilespmem:s12], [sflag:$0x1] =	stream.indirect.gather [spmem:s2], $0x80, s26, s11, $0xb8;
	[tilespmem:$0x18320] =	vst v63  }
0x36: {  	s28 =	simm.s32 $0x280  }
0x37: {  	[tilespmem:s13], [sflag:$0x1] =	stream.indirect.gather [spmem:s2], $0x80, s28, s11, $0xb8;
	[tilespmem:$0x18320] =	vst v63  }
0x38: {  	_ =	swait.ge [sflag:s14], $0x4000  }
0x39: {  	[sflag:s14] =	ssyncset.done $0x0  }
0x3a: {  	[sflag:s14] =	ssyncadd.s32 $0xFFFFC000  }
0x3b: {  	_ =	swait.ge [sflag:s14], $0x4000  }
0x3c: {  	[sflag:s14] =	ssyncset.done $0x0  }
0x3d: {  	s29 =	sadd.s32 $0xFFFFF000, s8;
	[sflag:s14] =	ssyncadd.s32 $0xFFFFC000  }
0x3e: {  	[hbm4b:s29+s3] =	stream.linear.scatter [tilespmem:s12], [sflag:$0x2], $0x8000, $0x38;
	[tilespmem:$0x18320] =	vst v63  }
0x3f: {  	_ =	swait.ge [sflag:s20], $0x8000  }
0x40: {  	[sflag:s20] =	ssyncset.done $0x0  }
0x41: {  	s30 =	simm.s32 $0x300;
	[sflag:s20] =	ssyncadd.s32 $0xFFFF8000  }
0x42: {  	[tilespmem:s16], [sflag:$0x1] =	stream.indirect.gather [spmem:s2], $0x80, s30, s11, $0xb8;
	[tilespmem:$0x18320] =	vst v63  }
0x43: {  	s31 =	simm.s32 $0x380  }
0x44: {  	[tilespmem:s18], [sflag:$0x1] =	stream.indirect.gather [spmem:s2], $0x80, s31, s11, $0xb8;
	[tilespmem:$0x18320] =	vst v63  }
0x45: {  	_ =	swait.ge [sflag:s14], $0x4000  }
0x46: {  	[sflag:s14] =	ssyncset.done $0x0  }
0x47: {  	[sflag:s14] =	ssyncadd.s32 $0xFFFFC000  }
0x48: {  	_ =	swait.ge [sflag:s14], $0x4000  }
0x49: {  	s23 =	sadd.s32 $0x2000, s8;
	[sflag:s14] =	ssyncset.done $0x0  }
0x4a: {  	s24 =	smov.u32 s8;
	s22 =	simm.s32 $0x800;
	[sflag:s14] =	ssyncadd.s32 $0xFFFFC000  }
.LBB2_2:
0x4b: {  	[hbm4b:s24+s3] =	stream.linear.scatter [tilespmem:s16], [sflag:$0x3], $0x8000, $0x38;
	[tilespmem:$0x18320] =	vst v63  }
0x4c: {  	s25 =	smov.u32 s22;
	s24 =	smov.u32 s23  }
0x4d: {  	p1 =	sne.s32 s22, $0x1F000;
	s22 =	sadd.s32 $0x800, s22;
	_ =	swait.ge [sflag:s19], $0x8000  }
0x4e: {  	s25 =	sshra.s32 s25, $0x2;
	[sflag:s19] =	ssyncset.done $0x0  }
0x4f: {  	s26 =	sadd.s32 $0x200, s25;
	[sflag:s19] =	ssyncadd.s32 $0xFFFF8000  }
0x50: {  	[tilespmem:s12], [sflag:$0x1] =	stream.indirect.gather [spmem:s2], $0x80, s26, s11, $0xb8;
	[tilespmem:$0x18320] =	vst v63  }
0x51: {  	s26 =	sadd.s32 $0x280, s25  }
0x52: {  	[tilespmem:s13], [sflag:$0x1] =	stream.indirect.gather [spmem:s2], $0x80, s26, s11, $0xb8;
	[tilespmem:$0x18320] =	vst v63  }
0x53: {  	_ =	swait.ge [sflag:s14], $0x4000  }
0x54: {  	[sflag:s14] =	ssyncset.done $0x0  }
0x55: {  	[sflag:s14] =	ssyncadd.s32 $0xFFFFC000  }
0x56: {  	_ =	swait.ge [sflag:s14], $0x4000  }
0x57: {  	[sflag:s14] =	ssyncset.done $0x0  }
0x58: {  	s26 =	sadd.s32 $0xFFFFF000, s23;
	[sflag:s14] =	ssyncadd.s32 $0xFFFFC000  }
0x59: {  	[hbm4b:s26+s3] =	stream.linear.scatter [tilespmem:s12], [sflag:$0x2], $0x8000, $0x38;
	[tilespmem:$0x18320] =	vst v63  }
0x5a: {  	_ =	swait.ge [sflag:s20], $0x8000  }
0x5b: {  	[sflag:s20] =	ssyncset.done $0x0  }
0x5c: {  	s26 =	sadd.s32 $0x300, s25;
	[sflag:s20] =	ssyncadd.s32 $0xFFFF8000  }
0x5d: {  	[tilespmem:s16], [sflag:$0x1] =	stream.indirect.gather [spmem:s2], $0x80, s26, s11, $0xb8;
	[tilespmem:$0x18320] =	vst v63  }
0x5e: {  	s25 =	sadd.s32 $0x380, s25  }
0x5f: {  	[tilespmem:s18], [sflag:$0x1] =	stream.indirect.gather [spmem:s2], $0x80, s25, s11, $0xb8;
	[tilespmem:$0x18320] =	vst v63  }
0x60: {  	_ =	swait.ge [sflag:s14], $0x4000  }
.Ltmp0:
0x61: {  	[sflag:s14] =	ssyncset.done $0x0;
	(pc) =	sbr.rel @p1 .LBB2_2-.Ltmp0, $4  }
0x62: {  	[sflag:s14] =	ssyncadd.s32 $0xFFFFC000  }
0x63: {  	_ =	swait.ge [sflag:s14], $0x4000  }
0x64: {  	[sflag:s14] =	ssyncset.done $0x0  }
0x65: {  	s23 =	sadd.s32 $0x2000, s23;
	[sflag:s14] =	ssyncadd.s32 $0xFFFFC000  }
0x66: {  	[hbm4b:s24+s3] =	stream.linear.scatter [tilespmem:s16], [sflag:$0x3], $0x8000, $0x38;
	[tilespmem:$0x18320] =	vst v63  }
0x67: {  	s21 =	sadd.s32 $0x1, s21  }
0x68: {  	_ =	swait.ge [sflag:s19], $0x8000;
	p1 =	sne.s32 s21, s7  }
.Ltmp1:
0x69: {  	[sflag:s19] =	ssyncset.done $0x0;
	(pc) =	sbr.rel @p1 .LBB2_1-.Ltmp1, $4  }
0x6a: {  	[sflag:s19] =	ssyncadd.s32 $0xFFFF8000  }
0x6b: {  	_ =	swait.ge [sflag:s20], $0x8000  }
0x6c: {  	[sflag:s20] =	ssyncset.done $0x0  }
0x6d: {  	[sflag:s20] =	ssyncadd.s32 $0xFFFF8000  }
0x6e: {  	_ =	sfence.sel $0x180000  }
0x6f: {  	[bflag:$0x0] =	sbarrier.arrive $0xFFFF  }
0x70: {  	_ =	strace $0x90000047  }
0x71: {  	s0 =	sadd.s32 @!p0 $0x100000, s0;
	[bflag:$0x2] =	sbarrier.arrive $0xFFFF  }
0x72: {  	[sflag:s0] =	ssyncadd.tile.s32 @!p0 $0x1;
	_ =	shalt  }
.Lfunc_end2:
_tile_overlayer_lowered:
.L_overlay_start_2:
0x73: {  	(tag) =	ssettag $0x2  }
0x74: {  	s0 =	rddreg [dreg:$0x0];
	s2 =	stileid.u32  }
0x75: {  	s1 =	rddreg [dreg:$0x1];
	p0 =	sne.s32 s2, $0x0  }
0x76: {  	s3 =	rddreg [dreg:$0x2];
	[bflag:$0x3] =	sbarrier.arrive $0xFFFF;
	s2 =	simm.s32 @!p0 $0x1C04  }
0x77: {  	[timem:s3], [sflag:s2] =	dma.local @!p0 [hbm:s0], s1  }
0x78: {  	s0 =	simm.s32 @!p0 $0x4  }
0x79: {  	_ =	swait.ge @!p0 [sflag:s0], s1  }
0x7a: {  	s1 =	ssub.s32 @!p0 $0x0, s1;
	[sflag:s0] =	ssyncset.done @!p0 $0x0  }
0x7b: {  	[sflag:s0] =	ssyncadd.s32 @!p0 s1  }
0x7c: {  	[bflag:$0x3] =	sbarrier.arrive $0xFFFF  }
0x7d: {  	_ =	shalt  }

</sc_bundles>
